<compile_context>
chip_gen: v7x
topology: tpu7x:2x2x1
jax: 0.10.2.dev20260603
libtpu: 0.0.44.dev20260713+nightly
codegen_flags: <defaults>
</compile_context>

<pallas_src>
import functools

import jax
import jax.numpy as jnp
from jax import lax
from jax.experimental import pallas as pl
from jax.experimental.pallas import tpu as pltpu
from jax.experimental.pallas import tpu_sc as plsc

NSEG = 16
D = 2048
TOTAL = 32768
LANES = 16
NCORES = 2
NSUB = 16
NW = NCORES * NSUB
TC_ROWS = 16384
SC_ROWS = TOTAL - TC_ROWS
ROWS_PER_W = SC_ROWS // NW
CHUNK = 16
NCHUNK = ROWS_PER_W // CHUNK
NPAIR = NCHUNK // 2
VPR = D // LANES
TCBLK = 1024

assert ROWS_PER_W % (2 * CHUNK) == 0
assert TC_ROWS % TCBLK == 0

_mesh = plsc.VectorSubcoreMesh(
    core_axis_name="c", subcore_axis_name="s",
    num_cores=NCORES, num_subcores=NSUB,
)


@functools.partial(
    pl.kernel,
    out_type=jax.ShapeDtypeStruct((NW, NSEG * D), jnp.float32),
    mesh=_mesh,
    compiler_params=pltpu.CompilerParams(needs_layout_passes=False,
                                         skip_device_barrier=True),
    scratch_types=[
        pltpu.VMEM((LANES,), jnp.int32),
        pltpu.VMEM_SHARED((NSUB, CHUNK, D), jnp.float32),
        pltpu.VMEM_SHARED((NSUB, CHUNK, D), jnp.float32),
        pltpu.VMEM((NSEG * D,), jnp.float32),
        pltpu.SemaphoreType.DMA,
        pltpu.SemaphoreType.DMA,
    ],
)
def _sc_segment_sums(flat_hbm, thr_hbm, out_hbm,
                     thr_v, buf0s, buf1s, acc_v, sem0, sem1):
    sid = lax.axis_index("s")
    wid = sid * NCORES + lax.axis_index("c")
    base = TC_ROWS + wid * ROWS_PER_W
    buf0 = buf0s.at[sid]
    buf1 = buf1s.at[sid]

    pltpu.async_copy(flat_hbm.at[pl.ds(base, CHUNK)], buf0, sem0)
    pltpu.async_copy(flat_hbm.at[pl.ds(base + CHUNK, CHUNK)], buf1, sem1)

    pltpu.sync_copy(thr_hbm, thr_v)
    thr = thr_v[...]

    @plsc.parallel_loop(0, NSEG * VPR)
    def zero_body(i):
        acc_v[pl.ds(i * LANES, LANES)] = jnp.zeros((LANES,), jnp.float32)

    def seg_of(r):
        return jnp.sum((thr <= r).astype(jnp.int32))

    def process(buf, row0):
        seg0 = seg_of(row0)
        segN = seg_of(row0 + (CHUNK - 1))

        def fast():
            accbase = seg0 * D

            @plsc.parallel_loop(0, VPR, unroll=4)
            def fast_body(k):
                off = k * LANES
                col = pl.ds(off, LANES)
                vs = [buf[r, col] for r in range(CHUNK)]
                while len(vs) > 1:
                    vs = [vs[t] + vs[t + 1] for t in range(0, len(vs), 2)]
                plsc.addupdate(acc_v.at[pl.ds(accbase + off, LANES)], vs[0])

        def slow():
            def row_body(rl, _):
                rowbase = seg_of(row0 + rl) * D

                @plsc.parallel_loop(0, VPR, unroll=2)
                def inner(k):
                    v = buf[rl, pl.ds(k * LANES, LANES)]
                    plsc.addupdate(
                        acc_v.at[pl.ds(rowbase + k * LANES, LANES)], v)

                return _

            lax.fori_loop(0, CHUNK, row_body, None)

        lax.cond(seg0 == segN, fast, slow)

    def pair_body(i, _):
        c0 = 2 * i
        row0 = base + c0 * CHUNK

        pltpu.make_async_copy(
            flat_hbm.at[pl.ds(row0, CHUNK)], buf0, sem0).wait()

        @pl.when(i < NPAIR - 1)
        def _start0():
            pltpu.async_copy(
                flat_hbm.at[pl.ds(row0 + 2 * CHUNK, CHUNK)], buf0, sem0)

        pltpu.make_async_copy(
            flat_hbm.at[pl.ds(row0 + CHUNK, CHUNK)], buf1, sem1).wait()

        @pl.when(i < NPAIR - 1)
        def _start1():
            pltpu.async_copy(
                flat_hbm.at[pl.ds(row0 + 3 * CHUNK, CHUNK)], buf1, sem1)

        return _

    lax.fori_loop(0, NPAIR, pair_body, None)
    pltpu.sync_copy(acc_v, out_hbm.at[wid])


def _tc_body(cu_ref, x_ref, o_ref):
    i = pl.program_id(0)
    rows = lax.broadcasted_iota(jnp.int32, (NSEG, TCBLK), 1) + i * TCBLK
    lowb = jnp.concatenate(
        [jnp.full((1, 1), cu_ref[b], jnp.int32) for b in range(NSEG)], 0)
    upb = jnp.concatenate(
        [jnp.full((1, 1), cu_ref[b + 1], jnp.int32) for b in range(NSEG)], 0)
    onehot = ((rows >= lowb) & (rows < upb)).astype(jnp.float32)
    part = jnp.dot(onehot, x_ref[...], preferred_element_type=jnp.float32)

    @pl.when(i == 0)
    def _init():
        o_ref[...] = jnp.zeros_like(o_ref)

    o_ref[...] += part


_tc_segment_sums = pl.pallas_call(
    _tc_body,
    grid=(TC_ROWS // TCBLK,),
    out_shape=jax.ShapeDtypeStruct((NSEG, D), jnp.float32),
    in_specs=[
        pl.BlockSpec(memory_space=pltpu.SMEM),
        pl.BlockSpec((TCBLK, D), lambda i: (i, 0)),
    ],
    out_specs=pl.BlockSpec((NSEG, D), lambda i: (0, 0)),
    compiler_params=pltpu.CompilerParams(
        dimension_semantics=("arbitrary",)),
)


def _combine_body(cu_ref, p_ref, t_ref, o_ref):
    sums = jnp.sum(p_ref[...], axis=0) + t_ref[...]
    invs = []
    for b in range(NSEG):
        cnt = (cu_ref[b + 1] - cu_ref[b]).astype(jnp.float32)
        invs.append(jnp.full((1, 1), 1.0, jnp.float32) / jnp.maximum(cnt, 1.0))
    inv = jnp.concatenate(invs, axis=0)
    o_ref[...] = sums * inv


_combine = pl.pallas_call(
    _combine_body,
    out_shape=jax.ShapeDtypeStruct((NSEG, D), jnp.float32),
    in_specs=[
        pl.BlockSpec(memory_space=pltpu.SMEM),
        pl.BlockSpec(memory_space=pltpu.VMEM),
        pl.BlockSpec(memory_space=pltpu.VMEM),
    ],
    out_specs=pl.BlockSpec(memory_space=pltpu.VMEM),
)


@jax.jit
def kernel(flat, cu_seqlens):
    thr = jnp.concatenate(
        [cu_seqlens[1:NSEG], jnp.full((1,), TOTAL, jnp.int32)]
    ).astype(jnp.int32)
    tc_part = _tc_segment_sums(cu_seqlens, flat)
    partials = _sc_segment_sums(flat, thr)
    partials = partials.reshape(NW, NSEG, D)
    return _combine(cu_seqlens, partials, tc_part)

# --- scband reference (transcript-rebuilt; emitter-appended) ---
"""Pipeline reference for scband-permop-ragged-35828617183706 (READ-ONLY COPY).

The authoritative reference and input builder live on the scoring server;
editing this copy changes nothing except your own understanding.
"""

import jax, jax.numpy as jnp
import numpy as np

B = 16
D = 2048
TOTAL = 32768


def setup_inputs(seed: int = 0) -> dict:
    key = jax.random.key(seed)
    k1, k2 = jax.random.split(key)
    flat = jax.random.normal(k1, (TOTAL, D), dtype=jnp.float32)
    cuts = jnp.sort(jax.random.randint(k2, (B - 1,), 0, TOTAL)).astype(jnp.int32)
    cu_seqlens = jnp.concatenate([
        jnp.zeros((1,), jnp.int32),
        cuts,
        jnp.full((1,), TOTAL, jnp.int32),
    ])
    return {"flat": flat, "cu_seqlens": cu_seqlens}


def reference(flat, cu_seqlens):
    # PermopRagged: tf.math.reduce_mean(ragged_inputs, axis=1)
    # Ragged tensor [B, None, D] is represented as (flat [TOTAL, D], cu_seqlens [B+1]).
    total = flat.shape[0]
    seg_ids = jnp.searchsorted(cu_seqlens, jnp.arange(total, dtype=cu_seqlens.dtype), side='right') - 1
    seg_ids = jnp.clip(seg_ids, 0, B - 1)
    sums = jax.ops.segment_sum(flat, seg_ids, num_segments=B)
    counts = (cu_seqlens[1:] - cu_seqlens[:-1]).astype(flat.dtype)
    counts = jnp.maximum(counts, 1.0)
    out = sums / counts[:, None]
    return out

if __name__ == "__main__":
    import jax
    _d = setup_inputs()
    print(jax.jit(kernel)(*tuple(_d.values())))

</pallas_src>

<mosaic_0001>
#map = affine_map<(d0, d1) -> (0, 0)>
#map1 = affine_map<(d0, d1) -> (0)>
module attributes {stable_mosaic.version = 14 : i64} {
  func.func @_sc_segment_sums(%arg0: i32, %arg1: i32, %arg2: memref<32768x2048xf32, #tpu.memory_space<hbm>>, %arg3: memref<16xi32, #tpu.memory_space<hbm>>, %arg4: memref<32x32768xf32, #tpu.memory_space<hbm>>, %arg5: memref<16xi32, #tpu.memory_space<vmem>>, %arg6: memref<16x16x2048xf32, #tpu.memory_space<vmem_shared>>, %arg7: memref<16x16x2048xf32, #tpu.memory_space<vmem_shared>>, %arg8: memref<32768xf32, #tpu.memory_space<vmem>>, %arg9: memref<!tpu.dma_semaphore, #tpu.memory_space<semaphore_mem>>, %arg10: memref<!tpu.dma_semaphore, #tpu.memory_space<semaphore_mem>>) attributes {dimension_semantics = [#tpu.dimension_semantics<core_parallel>, #tpu.dimension_semantics<subcore_parallel>], iteration_bounds = array<i64: 2, 16>, scalar_prefetch = 0 : i64, scratch_operands = 6 : i64, tpu.core_type = #tpu.core_type<sc_vector_subcore>, window_params = [{transform_indices = #map}, {transform_indices = #map1}, {transform_indices = #map}]} {
    %mul3A = arith.constant 2 : i32
    %mul3A_0 = arith.muli %arg1, %mul3A : i32
    %add3A = arith.addi %mul3A_0, %arg0 : i32
    %mul3A_1 = arith.constant 512 : i32
    %mul3A_2 = arith.muli %add3A, %mul3A_1 : i32
    %add3A_3 = arith.constant 16384 : i32
    %add3A_4 = arith.addi %add3A_3, %mul3A_2 : i32
    %dma_start3A = arith.constant 0 : i32
    %dma_start3A_5 = arith.constant 0 : i32
    %dma_start3A_6 = tpu.memref_slice %arg6[%arg1, %dma_start3A, %dma_start3A_5] : memref<16x16x2048xf32, #tpu.memory_space<vmem_shared>> -> memref<1x16x2048xf32, #tpu.memory_space<vmem_shared>>
    %dma_start3A_7 = tpu.memref_squeeze %dma_start3A_6 : memref<1x16x2048xf32, #tpu.memory_space<vmem_shared>> -> memref<16x2048xf32, #tpu.memory_space<vmem_shared>>
    %dma_start3A_8 = arith.constant 0 : i32
    %dma_start3A_9 = tpu.memref_slice %arg2[%add3A_4, %dma_start3A_8] : memref<32768x2048xf32, #tpu.memory_space<hbm>> -> memref<16x2048xf32, #tpu.memory_space<hbm>>
    tpu.enqueue_dma source(%dma_start3A_9 : memref<16x2048xf32, #tpu.memory_space<hbm>>) target(%dma_start3A_7 : memref<16x2048xf32, #tpu.memory_space<vmem_shared>>) target_semaphore(%arg9 : memref<!tpu.dma_semaphore, #tpu.memory_space<semaphore_mem>>)
    %add3A_10 = arith.constant 16 : i32
    %add3A_11 = arith.addi %add3A_4, %add3A_10 : i32
    %dma_start3A_12 = arith.constant 0 : i32
    %dma_start3A_13 = arith.constant 0 : i32
    %dma_start3A_14 = tpu.memref_slice %arg7[%arg1, %dma_start3A_12, %dma_start3A_13] : memref<16x16x2048xf32, #tpu.memory_space<vmem_shared>> -> memref<1x16x2048xf32, #tpu.memory_space<vmem_shared>>
    %dma_start3A_15 = tpu.memref_squeeze %dma_start3A_14 : memref<1x16x2048xf32, #tpu.memory_space<vmem_shared>> -> memref<16x2048xf32, #tpu.memory_space<vmem_shared>>
    %dma_start3A_16 = arith.constant 0 : i32
    %dma_start3A_17 = tpu.memref_slice %arg2[%add3A_11, %dma_start3A_16] : memref<32768x2048xf32, #tpu.memory_space<hbm>> -> memref<16x2048xf32, #tpu.memory_space<hbm>>
    tpu.enqueue_dma source(%dma_start3A_17 : memref<16x2048xf32, #tpu.memory_space<hbm>>) target(%dma_start3A_15 : memref<16x2048xf32, #tpu.memory_space<vmem_shared>>) target_semaphore(%arg10 : memref<!tpu.dma_semaphore, #tpu.memory_space<semaphore_mem>>)
    "tpu.region"() ({
      %run_scoped3A = tpu.sem_alloc : memref<!tpu.dma_semaphore, #tpu.memory_space<semaphore_mem>>
      tpu.enqueue_dma source(%arg3 : memref<16xi32, #tpu.memory_space<hbm>>) target(%arg5 : memref<16xi32, #tpu.memory_space<vmem>>) target_semaphore(%run_scoped3A : memref<!tpu.dma_semaphore, #tpu.memory_space<semaphore_mem>>)
      tpu.wait_dma2 semaphore(%run_scoped3A : memref<!tpu.dma_semaphore, #tpu.memory_space<semaphore_mem>>) src(%arg3 : memref<16xi32, #tpu.memory_space<hbm>>) dst(%arg5 : memref<16xi32, #tpu.memory_space<vmem>>)
      tpu.yield
    }) : () -> ()
    %get3A = arith.constant 0 : index
    %get3A_18 = tpu.vector_load %arg5[%get3A] {strides = array<i32>} : memref<16xi32, #tpu.memory_space<vmem>>, vector<16xi32>,
    %parallel_loop3A = arith.constant 0 : i32
    %parallel_loop3A_19 = arith.constant 2048 : i32
    %parallel_loop3A_20 = arith.constant 1 : i32
    scf.for %parallel_loop3A_25 = %parallel_loop3A to %parallel_loop3A_19 step %parallel_loop3A_20  : i32 {
      %parallel_loop3A_26 = arith.constant 0.000000e+00 : f32
      %parallel_loop3A_27 = vector.broadcast %parallel_loop3A_26 : f32 to vector<16xf32>
      %parallel_loop3A_28 = arith.constant 16 : i32
      %parallel_loop3A_29 = arith.muli %parallel_loop3A_25, %parallel_loop3A_28 : i32
      %parallel_loop3A_30 = arith.index_cast %parallel_loop3A_29 : i32 to index
      %parallel_loop3A_31 = tpu.vector_load %arg8[%parallel_loop3A_30] {strides = array<i32>} : memref<32768xf32, #tpu.memory_space<vmem>>, vector<16xf32>,
      tpu.vector_store %arg8[%parallel_loop3A_30], %parallel_loop3A_27 {strides = array<i32>} : memref<32768xf32, #tpu.memory_space<vmem>>, vector<16xf32>,
    } {sc.loop_unroll_factor = 1 : i64, sc.parallel_access}
    %scan3A = arith.constant 0 : i32
    %scan3A_21 = arith.constant 16 : i32
    %scan3A_22 = arith.addi %scan3A, %scan3A_21 : i32
    %scan3A_23 = arith.constant 1 : i32
    scf.for %scan3A_25 = %scan3A to %scan3A_22 step %scan3A_23  : i32 {
      %mul3A_26 = arith.constant 2 : i32
      %mul3A_27 = arith.muli %mul3A_26, %scan3A_25 : i32
      %mul3A_28 = arith.constant 16 : i32
      %mul3A_29 = arith.muli %mul3A_27, %mul3A_28 : i32
      %add3A_30 = arith.addi %add3A_4, %mul3A_29 : i32
      %dma_wait3A = arith.constant 0 : i32
      %dma_wait3A_31 = arith.constant 0 : i32
      %dma_wait3A_32 = tpu.memref_slice %arg6[%arg1, %dma_wait3A, %dma_wait3A_31] : memref<16x16x2048xf32, #tpu.memory_space<vmem_shared>> -> memref<1x16x2048xf32, #tpu.memory_space<vmem_shared>>
      %dma_wait3A_33 = tpu.memref_squeeze %dma_wait3A_32 : memref<1x16x2048xf32, #tpu.memory_space<vmem_shared>> -> memref<16x2048xf32, #tpu.memory_space<vmem_shared>>
      %dma_wait3A_34 = arith.constant 0 : i32
      %dma_wait3A_35 = tpu.memref_slice %arg2[%add3A_30, %dma_wait3A_34] : memref<32768x2048xf32, #tpu.memory_space<hbm>> -> memref<16x2048xf32, #tpu.memory_space<hbm>>
      tpu.wait_dma2 semaphore(%arg9 : memref<!tpu.dma_semaphore, #tpu.memory_space<semaphore_mem>>) src(%dma_wait3A_35 : memref<16x2048xf32, #tpu.memory_space<hbm>>) dst(%dma_wait3A_33 : memref<16x2048xf32, #tpu.memory_space<vmem_shared>>)
      %lt3A = arith.constant 15 : i32
      %lt3A_36 = arith.cmpi slt, %scan3A_25, %lt3A : i32
      %convert_element_type3A = arith.extui %lt3A_36 : i1 to i32
      %cond3A = arith.constant 0 : i32
      %cond3A_37 = arith.cmpi ne, %convert_element_type3A, %cond3A : i32
      scf.if %cond3A_37 {
        %add3A_51 = arith.constant 32 : i32
        %add3A_52 = arith.addi %add3A_30, %add3A_51 : i32
        %dma_start3A_53 = arith.constant 0 : i32
        %dma_start3A_54 = arith.constant 0 : i32
        %dma_start3A_55 = tpu.memref_slice %arg6[%arg1, %dma_start3A_53, %dma_start3A_54] : memref<16x16x2048xf32, #tpu.memory_space<vmem_shared>> -> memref<1x16x2048xf32, #tpu.memory_space<vmem_shared>>
        %dma_start3A_56 = tpu.memref_squeeze %dma_start3A_55 : memref<1x16x2048xf32, #tpu.memory_space<vmem_shared>> -> memref<16x2048xf32, #tpu.memory_space<vmem_shared>>
        %dma_start3A_57 = arith.constant 0 : i32
        %dma_start3A_58 = tpu.memref_slice %arg2[%add3A_52, %dma_start3A_57] : memref<32768x2048xf32, #tpu.memory_space<hbm>> -> memref<16x2048xf32, #tpu.memory_space<hbm>>
        tpu.enqueue_dma source(%dma_start3A_58 : memref<16x2048xf32, #tpu.memory_space<hbm>>) target(%dma_start3A_56 : memref<16x2048xf32, #tpu.memory_space<vmem_shared>>) target_semaphore(%arg9 : memref<!tpu.dma_semaphore, #tpu.memory_space<semaphore_mem>>)
      } else {
      }
      %add3A_38 = arith.constant 16 : i32
      %add3A_39 = arith.addi %add3A_30, %add3A_38 : i32
      %dma_wait3A_40 = arith.constant 0 : i32
      %dma_wait3A_41 = arith.constant 0 : i32
      %dma_wait3A_42 = tpu.memref_slice %arg7[%arg1, %dma_wait3A_40, %dma_wait3A_41] : memref<16x16x2048xf32, #tpu.memory_space<vmem_shared>> -> memref<1x16x2048xf32, #tpu.memory_space<vmem_shared>>
      %dma_wait3A_43 = tpu.memref_squeeze %dma_wait3A_42 : memref<1x16x2048xf32, #tpu.memory_space<vmem_shared>> -> memref<16x2048xf32, #tpu.memory_space<vmem_shared>>
      %dma_wait3A_44 = arith.constant 0 : i32
      %dma_wait3A_45 = tpu.memref_slice %arg2[%add3A_39, %dma_wait3A_44] : memref<32768x2048xf32, #tpu.memory_space<hbm>> -> memref<16x2048xf32, #tpu.memory_space<hbm>>
      tpu.wait_dma2 semaphore(%arg10 : memref<!tpu.dma_semaphore, #tpu.memory_space<semaphore_mem>>) src(%dma_wait3A_45 : memref<16x2048xf32, #tpu.memory_space<hbm>>) dst(%dma_wait3A_43 : memref<16x2048xf32, #tpu.memory_space<vmem_shared>>)
      %lt3A_46 = arith.constant 15 : i32
      %lt3A_47 = arith.cmpi slt, %scan3A_25, %lt3A_46 : i32
      %convert_element_type3A_48 = arith.extui %lt3A_47 : i1 to i32
      %cond3A_49 = arith.constant 0 : i32
      %cond3A_50 = arith.cmpi ne, %convert_element_type3A_48, %cond3A_49 : i32
      scf.if %cond3A_50 {
        %add3A_51 = arith.constant 48 : i32
        %add3A_52 = arith.addi %add3A_30, %add3A_51 : i32
        %dma_start3A_53 = arith.constant 0 : i32
        %dma_start3A_54 = arith.constant 0 : i32
        %dma_start3A_55 = tpu.memref_slice %arg7[%arg1, %dma_start3A_53, %dma_start3A_54] : memref<16x16x2048xf32, #tpu.memory_space<vmem_shared>> -> memref<1x16x2048xf32, #tpu.memory_space<vmem_shared>>
        %dma_start3A_56 = tpu.memref_squeeze %dma_start3A_55 : memref<1x16x2048xf32, #tpu.memory_space<vmem_shared>> -> memref<16x2048xf32, #tpu.memory_space<vmem_shared>>
        %dma_start3A_57 = arith.constant 0 : i32
        %dma_start3A_58 = tpu.memref_slice %arg2[%add3A_52, %dma_start3A_57] : memref<32768x2048xf32, #tpu.memory_space<hbm>> -> memref<16x2048xf32, #tpu.memory_space<hbm>>
        tpu.enqueue_dma source(%dma_start3A_58 : memref<16x2048xf32, #tpu.memory_space<hbm>>) target(%dma_start3A_56 : memref<16x2048xf32, #tpu.memory_space<vmem_shared>>) target_semaphore(%arg10 : memref<!tpu.dma_semaphore, #tpu.memory_space<semaphore_mem>>)
      } else {
      }
    }
    %scan3A_24 = arith.constant 16 : i32
    "tpu.region"() ({
      %run_scoped3A = tpu.sem_alloc : memref<!tpu.dma_semaphore, #tpu.memory_space<semaphore_mem>>
      %dma_start3A_25 = arith.constant 0 : i32
      %dma_start3A_26 = tpu.memref_slice %arg4[%add3A, %dma_start3A_25] : memref<32x32768xf32, #tpu.memory_space<hbm>> -> memref<1x32768xf32, #tpu.memory_space<hbm>>
      %dma_start3A_27 = tpu.memref_squeeze %dma_start3A_26 : memref<1x32768xf32, #tpu.memory_space<hbm>> -> memref<32768xf32, #tpu.memory_space<hbm>>
      %dma_start3A_28 = arith.constant 0 : i32
      %dma_start3A_29 = tpu.memref_slice %arg4[%add3A, %dma_start3A_28] : memref<32x32768xf32, #tpu.memory_space<hbm>> -> memref<1x32768xf32, #tpu.memory_space<hbm>>
      %dma_start3A_30 = tpu.memref_squeeze %dma_start3A_29 : memref<1x32768xf32, #tpu.memory_space<hbm>> -> memref<32768xf32, #tpu.memory_space<hbm>>
      tpu.enqueue_dma source(%arg8 : memref<32768xf32, #tpu.memory_space<vmem>>) target(%dma_start3A_30 : memref<32768xf32, #tpu.memory_space<hbm>>) target_semaphore(%run_scoped3A : memref<!tpu.dma_semaphore, #tpu.memory_space<semaphore_mem>>)
      %dma_wait3A = arith.constant 0 : i32
      %dma_wait3A_31 = tpu.memref_slice %arg4[%add3A, %dma_wait3A] : memref<32x32768xf32, #tpu.memory_space<hbm>> -> memref<1x32768xf32, #tpu.memory_space<hbm>>
      %dma_wait3A_32 = tpu.memref_squeeze %dma_wait3A_31 : memref<1x32768xf32, #tpu.memory_space<hbm>> -> memref<32768xf32, #tpu.memory_space<hbm>>
      %dma_wait3A_33 = arith.constant 0 : i32
      %dma_wait3A_34 = tpu.memref_slice %arg4[%add3A, %dma_wait3A_33] : memref<32x32768xf32, #tpu.memory_space<hbm>> -> memref<1x32768xf32, #tpu.memory_space<hbm>>
      %dma_wait3A_35 = tpu.memref_squeeze %dma_wait3A_34 : memref<1x32768xf32, #tpu.memory_space<hbm>> -> memref<32768xf32, #tpu.memory_space<hbm>>
      tpu.wait_dma2 semaphore(%run_scoped3A : memref<!tpu.dma_semaphore, #tpu.memory_space<semaphore_mem>>) src(%arg8 : memref<32768xf32, #tpu.memory_space<vmem>>) dst(%dma_wait3A_35 : memref<32768xf32, #tpu.memory_space<hbm>>)
      tpu.yield
    }) : () -> ()
    return
  }
}

module attributes {stable_mosaic.version = 14 : i64} {
  func.func @_tc_body(%arg0: i32, %arg1: memref<17xi32, #tpu.memory_space<smem>>, %arg2: memref<1024x2048xf32, #tpu.memory_space<vmem>>, %arg3: memref<16x2048xf32, #tpu.memory_space<vmem>>) attributes {dimension_semantics = [#tpu.dimension_semantics<arbitrary>], iteration_bounds = array<i64: 16>, scalar_prefetch = 0 : i64, scratch_operands = 0 : i64, tpu.core_type = #tpu.core_type<tc>, window_params = [{transform_indices = @transform_0, window_bounds = array<i64: 17>}, {transform_indices = @transform_1, window_bounds = array<i64: 1024, 2048>}, {pipeline_mode = #tpu.pipeline_mode<synchronous>, transform_indices = @transform_2, window_bounds = array<i64: 16, 2048>}]} {
    %iota3A = tpu.iota {dimensions = array<i32: 1>} : vector<16x1024xi32>
    %mul3A = arith.constant 1024 : i32
    %mul3A_0 = arith.muli %arg0, %mul3A : i32
    %add3A = vector.broadcast %mul3A_0 : i32 to vector<16x1024xi32>
    %add3A_1 = arith.addi %iota3A, %add3A : vector<16x1024xi32>
    %get3A = arith.constant 0 : index
    %get3A_2 = memref.load %arg1[%get3A] : memref<17xi32, #tpu.memory_space<smem>>
    %broadcast_in_dim3A = vector.broadcast %get3A_2 : i32 to vector<1x1xi32>
    %get3A_3 = arith.constant 1 : index
    %get3A_4 = memref.load %arg1[%get3A_3] : memref<17xi32, #tpu.memory_space<smem>>
    %broadcast_in_dim3A_5 = vector.broadcast %get3A_4 : i32 to vector<1x1xi32>
    %get3A_6 = arith.constant 2 : index
    %get3A_7 = memref.load %arg1[%get3A_6] : memref<17xi32, #tpu.memory_space<smem>>
    %broadcast_in_dim3A_8 = vector.broadcast %get3A_7 : i32 to vector<1x1xi32>
    %get3A_9 = arith.constant 3 : index
    %get3A_10 = memref.load %arg1[%get3A_9] : memref<17xi32, #tpu.memory_space<smem>>
    %broadcast_in_dim3A_11 = vector.broadcast %get3A_10 : i32 to vector<1x1xi32>
    %get3A_12 = arith.constant 4 : index
    %get3A_13 = memref.load %arg1[%get3A_12] : memref<17xi32, #tpu.memory_space<smem>>
    %broadcast_in_dim3A_14 = vector.broadcast %get3A_13 : i32 to vector<1x1xi32>
    %get3A_15 = arith.constant 5 : index
    %get3A_16 = memref.load %arg1[%get3A_15] : memref<17xi32, #tpu.memory_space<smem>>
    %broadcast_in_dim3A_17 = vector.broadcast %get3A_16 : i32 to vector<1x1xi32>
    %get3A_18 = arith.constant 6 : index
    %get3A_19 = memref.load %arg1[%get3A_18] : memref<17xi32, #tpu.memory_space<smem>>
    %broadcast_in_dim3A_20 = vector.broadcast %get3A_19 : i32 to vector<1x1xi32>
    %get3A_21 = arith.constant 7 : index
    %get3A_22 = memref.load %arg1[%get3A_21] : memref<17xi32, #tpu.memory_space<smem>>
    %broadcast_in_dim3A_23 = vector.broadcast %get3A_22 : i32 to vector<1x1xi32>
    %get3A_24 = arith.constant 8 : index
    %get3A_25 = memref.load %arg1[%get3A_24] : memref<17xi32, #tpu.memory_space<smem>>
    %broadcast_in_dim3A_26 = vector.broadcast %get3A_25 : i32 to vector<1x1xi32>
    %get3A_27 = arith.constant 9 : index
    %get3A_28 = memref.load %arg1[%get3A_27] : memref<17xi32, #tpu.memory_space<smem>>
    %broadcast_in_dim3A_29 = vector.broadcast %get3A_28 : i32 to vector<1x1xi32>
    %get3A_30 = arith.constant 10 : index
    %get3A_31 = memref.load %arg1[%get3A_30] : memref<17xi32, #tpu.memory_space<smem>>
    %broadcast_in_dim3A_32 = vector.broadcast %get3A_31 : i32 to vector<1x1xi32>
    %get3A_33 = arith.constant 11 : index
    %get3A_34 = memref.load %arg1[%get3A_33] : memref<17xi32, #tpu.memory_space<smem>>
    %broadcast_in_dim3A_35 = vector.broadcast %get3A_34 : i32 to vector<1x1xi32>
    %get3A_36 = arith.constant 12 : index
    %get3A_37 = memref.load %arg1[%get3A_36] : memref<17xi32, #tpu.memory_space<smem>>
    %broadcast_in_dim3A_38 = vector.broadcast %get3A_37 : i32 to vector<1x1xi32>
    %get3A_39 = arith.constant 13 : index
    %get3A_40 = memref.load %arg1[%get3A_39] : memref<17xi32, #tpu.memory_space<smem>>
    %broadcast_in_dim3A_41 = vector.broadcast %get3A_40 : i32 to vector<1x1xi32>
    %get3A_42 = arith.constant 14 : index
    %get3A_43 = memref.load %arg1[%get3A_42] : memref<17xi32, #tpu.memory_space<smem>>
    %broadcast_in_dim3A_44 = vector.broadcast %get3A_43 : i32 to vector<1x1xi32>
    %get3A_45 = arith.constant 15 : index
    %get3A_46 = memref.load %arg1[%get3A_45] : memref<17xi32, #tpu.memory_space<smem>>
    %broadcast_in_dim3A_47 = vector.broadcast %get3A_46 : i32 to vector<1x1xi32>
    %concatenate3A = tpu.concatenate %broadcast_in_dim3A, %broadcast_in_dim3A_5, %broadcast_in_dim3A_8, %broadcast_in_dim3A_11, %broadcast_in_dim3A_14, %broadcast_in_dim3A_17, %broadcast_in_dim3A_20, %broadcast_in_dim3A_23, %broadcast_in_dim3A_26, %broadcast_in_dim3A_29, %broadcast_in_dim3A_32, %broadcast_in_dim3A_35, %broadcast_in_dim3A_38, %broadcast_in_dim3A_41, %broadcast_in_dim3A_44, %broadcast_in_dim3A_47 in 0 : vector<1x1xi32>, vector<1x1xi32>, vector<1x1xi32>, vector<1x1xi32>, vector<1x1xi32>, vector<1x1xi32>, vector<1x1xi32>, vector<1x1xi32>, vector<1x1xi32>, vector<1x1xi32>, vector<1x1xi32>, vector<1x1xi32>, vector<1x1xi32>, vector<1x1xi32>, vector<1x1xi32>, vector<1x1xi32> -> vector<16x1xi32>
    %get3A_48 = arith.constant 1 : index
    %get3A_49 = memref.load %arg1[%get3A_48] : memref<17xi32, #tpu.memory_space<smem>>
    %broadcast_in_dim3A_50 = vector.broadcast %get3A_49 : i32 to vector<1x1xi32>
    %get3A_51 = arith.constant 2 : index
    %get3A_52 = memref.load %arg1[%get3A_51] : memref<17xi32, #tpu.memory_space<smem>>
    %broadcast_in_dim3A_53 = vector.broadcast %get3A_52 : i32 to vector<1x1xi32>
    %get3A_54 = arith.constant 3 : index
    %get3A_55 = memref.load %arg1[%get3A_54] : memref<17xi32, #tpu.memory_space<smem>>
    %broadcast_in_dim3A_56 = vector.broadcast %get3A_55 : i32 to vector<1x1xi32>
    %get3A_57 = arith.constant 4 : index
    %get3A_58 = memref.load %arg1[%get3A_57] : memref<17xi32, #tpu.memory_space<smem>>
    %broadcast_in_dim3A_59 = vector.broadcast %get3A_58 : i32 to vector<1x1xi32>
    %get3A_60 = arith.constant 5 : index
    %get3A_61 = memref.load %arg1[%get3A_60] : memref<17xi32, #tpu.memory_space<smem>>
    %broadcast_in_dim3A_62 = vector.broadcast %get3A_61 : i32 to vector<1x1xi32>
    %get3A_63 = arith.constant 6 : index
    %get3A_64 = memref.load %arg1[%get3A_63] : memref<17xi32, #tpu.memory_space<smem>>
    %broadcast_in_dim3A_65 = vector.broadcast %get3A_64 : i32 to vector<1x1xi32>
    %get3A_66 = arith.constant 7 : index
    %get3A_67 = memref.load %arg1[%get3A_66] : memref<17xi32, #tpu.memory_space<smem>>
    %broadcast_in_dim3A_68 = vector.broadcast %get3A_67 : i32 to vector<1x1xi32>
    %get3A_69 = arith.constant 8 : index
    %get3A_70 = memref.load %arg1[%get3A_69] : memref<17xi32, #tpu.memory_space<smem>>
    %broadcast_in_dim3A_71 = vector.broadcast %get3A_70 : i32 to vector<1x1xi32>
    %get3A_72 = arith.constant 9 : index
    %get3A_73 = memref.load %arg1[%get3A_72] : memref<17xi32, #tpu.memory_space<smem>>
    %broadcast_in_dim3A_74 = vector.broadcast %get3A_73 : i32 to vector<1x1xi32>
    %get3A_75 = arith.constant 10 : index
    %get3A_76 = memref.load %arg1[%get3A_75] : memref<17xi32, #tpu.memory_space<smem>>
    %broadcast_in_dim3A_77 = vector.broadcast %get3A_76 : i32 to vector<1x1xi32>
    %get3A_78 = arith.constant 11 : index
    %get3A_79 = memref.load %arg1[%get3A_78] : memref<17xi32, #tpu.memory_space<smem>>
    %broadcast_in_dim3A_80 = vector.broadcast %get3A_79 : i32 to vector<1x1xi32>
    %get3A_81 = arith.constant 12 : index
    %get3A_82 = memref.load %arg1[%get3A_81] : memref<17xi32, #tpu.memory_space<smem>>
    %broadcast_in_dim3A_83 = vector.broadcast %get3A_82 : i32 to vector<1x1xi32>
    %get3A_84 = arith.constant 13 : index
    %get3A_85 = memref.load %arg1[%get3A_84] : memref<17xi32, #tpu.memory_space<smem>>
    %broadcast_in_dim3A_86 = vector.broadcast %get3A_85 : i32 to vector<1x1xi32>
    %get3A_87 = arith.constant 14 : index
    %get3A_88 = memref.load %arg1[%get3A_87] : memref<17xi32, #tpu.memory_space<smem>>
    %broadcast_in_dim3A_89 = vector.broadcast %get3A_88 : i32 to vector<1x1xi32>
    %get3A_90 = arith.constant 15 : index
    %get3A_91 = memref.load %arg1[%get3A_90] : memref<17xi32, #tpu.memory_space<smem>>
    %broadcast_in_dim3A_92 = vector.broadcast %get3A_91 : i32 to vector<1x1xi32>
    %get3A_93 = arith.constant 16 : index
    %get3A_94 = memref.load %arg1[%get3A_93] : memref<17xi32, #tpu.memory_space<smem>>
    %broadcast_in_dim3A_95 = vector.broadcast %get3A_94 : i32 to vector<1x1xi32>
    %concatenate3A_96 = tpu.concatenate %broadcast_in_dim3A_50, %broadcast_in_dim3A_53, %broadcast_in_dim3A_56, %broadcast_in_dim3A_59, %broadcast_in_dim3A_62, %broadcast_in_dim3A_65, %broadcast_in_dim3A_68, %broadcast_in_dim3A_71, %broadcast_in_dim3A_74, %broadcast_in_dim3A_77, %broadcast_in_dim3A_80, %broadcast_in_dim3A_83, %broadcast_in_dim3A_86, %broadcast_in_dim3A_89, %broadcast_in_dim3A_92, %broadcast_in_dim3A_95 in 0 : vector<1x1xi32>, vector<1x1xi32>, vector<1x1xi32>, vector<1x1xi32>, vector<1x1xi32>, vector<1x1xi32>, vector<1x1xi32>, vector<1x1xi32>, vector<1x1xi32>, vector<1x1xi32>, vector<1x1xi32>, vector<1x1xi32>, vector<1x1xi32>, vector<1x1xi32>, vector<1x1xi32>, vector<1x1xi32> -> vector<16x1xi32>
    %ge3A = vector.broadcast %concatenate3A : vector<16x1xi32> to vector<16x1024xi32>
    %ge3A_97 = arith.cmpi sge, %add3A_1, %ge3A : vector<16x1024xi32>
    %lt3A = vector.broadcast %concatenate3A_96 : vector<16x1xi32> to vector<16x1024xi32>
    %lt3A_98 = arith.cmpi slt, %add3A_1, %lt3A : vector<16x1024xi32>
    %and3A = arith.andi %ge3A_97, %lt3A_98 : vector<16x1024xi1>
    %convert_element_type3A = arith.extui %and3A : vector<16x1024xi1> to vector<16x1024xi32>
    %convert_element_type3A_99 = arith.sitofp %convert_element_type3A : vector<16x1024xi32> to vector<16x1024xf32>
    %get3A_100 = arith.constant 0 : index
    %get3A_101 = arith.constant 0 : index
    %get3A_102 = vector.load %arg2[%get3A_100, %get3A_101] : memref<1024x2048xf32, #tpu.memory_space<vmem>>, vector<1024x2048xf32>
    %dot_general3A = arith.constant dense<0.000000e+00> : vector<16x2048xf32>
    %dot_general3A_103 = tpu.matmul %convert_element_type3A_99, %get3A_102, %dot_general3A {dimension_numbers = #tpu.dot_dimension_numbers<[1], [0], [0], [1], [0, 0, 1, 1], [], []>, transpose_lhs_hint = false} : vector<16x1024xf32>, vector<1024x2048xf32>, vector<16x2048xf32> -> vector<16x2048xf32>
    %eq3A = arith.constant 0 : i32
    %eq3A_104 = arith.cmpi eq, %arg0, %eq3A : i32
    %convert_element_type3A_105 = arith.extui %eq3A_104 : i1 to i32
    %cond3A = arith.constant 0 : i32
    %cond3A_106 = arith.cmpi ne, %convert_element_type3A_105, %cond3A : i32
    scf.if %cond3A_106 {
      %broadcast_in_dim3A_113 = arith.constant 0.000000e+00 : f32
      %broadcast_in_dim3A_114 = vector.broadcast %broadcast_in_dim3A_113 : f32 to vector<16x2048xf32>
      %swap3A_115 = arith.constant 0 : index
      %swap3A_116 = arith.constant 0 : index
      %swap3A_117 = vector.load %arg3[%swap3A_115, %swap3A_116] : memref<16x2048xf32, #tpu.memory_space<vmem>>, vector<16x2048xf32>
      tpu.vector_store %arg3[%swap3A_115, %swap3A_116], %broadcast_in_dim3A_114 {strides = array<i32>} : memref<16x2048xf32, #tpu.memory_space<vmem>>, vector<16x2048xf32>,
    } else {
    }
    %get3A_107 = arith.constant 0 : index
    %get3A_108 = arith.constant 0 : index
    %get3A_109 = vector.load %arg3[%get3A_107, %get3A_108] : memref<16x2048xf32, #tpu.memory_space<vmem>>, vector<16x2048xf32>
    %add3A_110 = arith.addf %get3A_109, %dot_general3A_103 : vector<16x2048xf32>
    %swap3A = arith.constant 0 : index
    %swap3A_111 = arith.constant 0 : index
    %swap3A_112 = vector.load %arg3[%swap3A, %swap3A_111] : memref<16x2048xf32, #tpu.memory_space<vmem>>, vector<16x2048xf32>
    tpu.vector_store %arg3[%swap3A, %swap3A_111], %add3A_110 {strides = array<i32>} : memref<16x2048xf32, #tpu.memory_space<vmem>>, vector<16x2048xf32>,
    return
  }
  func.func @transform_0(%arg0: i32) -> i32 {
    %c0_i32 = arith.constant 0 : i32
    %c0_i32_0 = arith.constant 0 : i32
    return %c0_i32 : i32
  }
  func.func @transform_1(%arg0: i32) -> (i32, i32) {
    %c0_i32 = arith.constant 0 : i32
    %c0_i32_0 = arith.constant 0 : i32
    return %arg0, %c0_i32 : i32, i32
  }
  func.func @transform_2(%arg0: i32) -> (i32, i32) {
    %c0_i32 = arith.constant 0 : i32
    %c0_i32_0 = arith.constant 0 : i32
    %c0_i32_1 = arith.constant 0 : i32
    return %c0_i32, %c0_i32_0 : i32, i32
  }
}

module attributes {stable_mosaic.version = 14 : i64} {
  func.func @_combine_body(%arg0: memref<17xi32, #tpu.memory_space<smem>>, %arg1: memref<32x16x2048xf32, #tpu.memory_space<vmem>>, %arg2: memref<16x2048xf32, #tpu.memory_space<vmem>>, %arg3: memref<16x2048xf32, #tpu.memory_space<vmem>>) attributes {dimension_semantics = [], scalar_prefetch = 0 : i64, scratch_operands = 0 : i64, tpu.core_type = #tpu.core_type<tc>} {
    %get3A = arith.constant 0 : index
    %get3A_0 = arith.constant 0 : index
    %get3A_1 = arith.constant 0 : index
    %get3A_2 = vector.load %arg1[%get3A, %get3A_0, %get3A_1] : memref<32x16x2048xf32, #tpu.memory_space<vmem>>, vector<32x16x2048xf32>
    %reduce_sum3A = arith.constant dense<0.000000e+00> : vector<16x2048xf32>
    %reduce_sum3A_3 = vector.multi_reduction <add>, %get3A_2, %reduce_sum3A [0] : vector<32x16x2048xf32> to vector<16x2048xf32>
    %get3A_4 = arith.constant 0 : index
    %get3A_5 = arith.constant 0 : index
    %get3A_6 = vector.load %arg2[%get3A_4, %get3A_5] : memref<16x2048xf32, #tpu.memory_space<vmem>>, vector<16x2048xf32>
    %add3A = arith.addf %reduce_sum3A_3, %get3A_6 : vector<16x2048xf32>
    %get3A_7 = arith.constant 1 : index
    %get3A_8 = memref.load %arg0[%get3A_7] : memref<17xi32, #tpu.memory_space<smem>>
    %get3A_9 = arith.constant 0 : index
    %get3A_10 = memref.load %arg0[%get3A_9] : memref<17xi32, #tpu.memory_space<smem>>
    %sub3A = arith.subi %get3A_8, %get3A_10 : i32
    %convert_element_type3A = arith.sitofp %sub3A : i32 to f32
    %broadcast_in_dim3A = arith.constant 1.000000e+00 : f32
    %broadcast_in_dim3A_11 = vector.broadcast %broadcast_in_dim3A : f32 to vector<1x1xf32>
    %max3A = arith.constant 1.000000e+00 : f32
    %max3A_12 = arith.maximumf %convert_element_type3A, %max3A : f32
    %div3A = vector.broadcast %max3A_12 : f32 to vector<1x1xf32>
    %div3A_13 = arith.divf %broadcast_in_dim3A_11, %div3A : vector<1x1xf32>
    %get3A_14 = arith.constant 2 : index
    %get3A_15 = memref.load %arg0[%get3A_14] : memref<17xi32, #tpu.memory_space<smem>>
    %get3A_16 = arith.constant 1 : index
    %get3A_17 = memref.load %arg0[%get3A_16] : memref<17xi32, #tpu.memory_space<smem>>
    %sub3A_18 = arith.subi %get3A_15, %get3A_17 : i32
    %convert_element_type3A_19 = arith.sitofp %sub3A_18 : i32 to f32
    %broadcast_in_dim3A_20 = arith.constant 1.000000e+00 : f32
    %broadcast_in_dim3A_21 = vector.broadcast %broadcast_in_dim3A_20 : f32 to vector<1x1xf32>
    %max3A_22 = arith.constant 1.000000e+00 : f32
    %max3A_23 = arith.maximumf %convert_element_type3A_19, %max3A_22 : f32
    %div3A_24 = vector.broadcast %max3A_23 : f32 to vector<1x1xf32>
    %div3A_25 = arith.divf %broadcast_in_dim3A_21, %div3A_24 : vector<1x1xf32>
    %get3A_26 = arith.constant 3 : index
    %get3A_27 = memref.load %arg0[%get3A_26] : memref<17xi32, #tpu.memory_space<smem>>
    %get3A_28 = arith.constant 2 : index
    %get3A_29 = memref.load %arg0[%get3A_28] : memref<17xi32, #tpu.memory_space<smem>>
    %sub3A_30 = arith.subi %get3A_27, %get3A_29 : i32
    %convert_element_type3A_31 = arith.sitofp %sub3A_30 : i32 to f32
    %broadcast_in_dim3A_32 = arith.constant 1.000000e+00 : f32
    %broadcast_in_dim3A_33 = vector.broadcast %broadcast_in_dim3A_32 : f32 to vector<1x1xf32>
    %max3A_34 = arith.constant 1.000000e+00 : f32
    %max3A_35 = arith.maximumf %convert_element_type3A_31, %max3A_34 : f32
    %div3A_36 = vector.broadcast %max3A_35 : f32 to vector<1x1xf32>
    %div3A_37 = arith.divf %broadcast_in_dim3A_33, %div3A_36 : vector<1x1xf32>
    %get3A_38 = arith.constant 4 : index
    %get3A_39 = memref.load %arg0[%get3A_38] : memref<17xi32, #tpu.memory_space<smem>>
    %get3A_40 = arith.constant 3 : index
    %get3A_41 = memref.load %arg0[%get3A_40] : memref<17xi32, #tpu.memory_space<smem>>
    %sub3A_42 = arith.subi %get3A_39, %get3A_41 : i32
    %convert_element_type3A_43 = arith.sitofp %sub3A_42 : i32 to f32
    %broadcast_in_dim3A_44 = arith.constant 1.000000e+00 : f32
    %broadcast_in_dim3A_45 = vector.broadcast %broadcast_in_dim3A_44 : f32 to vector<1x1xf32>
    %max3A_46 = arith.constant 1.000000e+00 : f32
    %max3A_47 = arith.maximumf %convert_element_type3A_43, %max3A_46 : f32
    %div3A_48 = vector.broadcast %max3A_47 : f32 to vector<1x1xf32>
    %div3A_49 = arith.divf %broadcast_in_dim3A_45, %div3A_48 : vector<1x1xf32>
    %get3A_50 = arith.constant 5 : index
    %get3A_51 = memref.load %arg0[%get3A_50] : memref<17xi32, #tpu.memory_space<smem>>
    %get3A_52 = arith.constant 4 : index
    %get3A_53 = memref.load %arg0[%get3A_52] : memref<17xi32, #tpu.memory_space<smem>>
    %sub3A_54 = arith.subi %get3A_51, %get3A_53 : i32
    %convert_element_type3A_55 = arith.sitofp %sub3A_54 : i32 to f32
    %broadcast_in_dim3A_56 = arith.constant 1.000000e+00 : f32
    %broadcast_in_dim3A_57 = vector.broadcast %broadcast_in_dim3A_56 : f32 to vector<1x1xf32>
    %max3A_58 = arith.constant 1.000000e+00 : f32
    %max3A_59 = arith.maximumf %convert_element_type3A_55, %max3A_58 : f32
    %div3A_60 = vector.broadcast %max3A_59 : f32 to vector<1x1xf32>
    %div3A_61 = arith.divf %broadcast_in_dim3A_57, %div3A_60 : vector<1x1xf32>
    %get3A_62 = arith.constant 6 : index
    %get3A_63 = memref.load %arg0[%get3A_62] : memref<17xi32, #tpu.memory_space<smem>>
    %get3A_64 = arith.constant 5 : index
    %get3A_65 = memref.load %arg0[%get3A_64] : memref<17xi32, #tpu.memory_space<smem>>
    %sub3A_66 = arith.subi %get3A_63, %get3A_65 : i32
    %convert_element_type3A_67 = arith.sitofp %sub3A_66 : i32 to f32
    %broadcast_in_dim3A_68 = arith.constant 1.000000e+00 : f32
    %broadcast_in_dim3A_69 = vector.broadcast %broadcast_in_dim3A_68 : f32 to vector<1x1xf32>
    %max3A_70 = arith.constant 1.000000e+00 : f32
    %max3A_71 = arith.maximumf %convert_element_type3A_67, %max3A_70 : f32
    %div3A_72 = vector.broadcast %max3A_71 : f32 to vector<1x1xf32>
    %div3A_73 = arith.divf %broadcast_in_dim3A_69, %div3A_72 : vector<1x1xf32>
    %get3A_74 = arith.constant 7 : index
    %get3A_75 = memref.load %arg0[%get3A_74] : memref<17xi32, #tpu.memory_space<smem>>
    %get3A_76 = arith.constant 6 : index
    %get3A_77 = memref.load %arg0[%get3A_76] : memref<17xi32, #tpu.memory_space<smem>>
    %sub3A_78 = arith.subi %get3A_75, %get3A_77 : i32
    %convert_element_type3A_79 = arith.sitofp %sub3A_78 : i32 to f32
    %broadcast_in_dim3A_80 = arith.constant 1.000000e+00 : f32
    %broadcast_in_dim3A_81 = vector.broadcast %broadcast_in_dim3A_80 : f32 to vector<1x1xf32>
    %max3A_82 = arith.constant 1.000000e+00 : f32
    %max3A_83 = arith.maximumf %convert_element_type3A_79, %max3A_82 : f32
    %div3A_84 = vector.broadcast %max3A_83 : f32 to vector<1x1xf32>
    %div3A_85 = arith.divf %broadcast_in_dim3A_81, %div3A_84 : vector<1x1xf32>
    %get3A_86 = arith.constant 8 : index
    %get3A_87 = memref.load %arg0[%get3A_86] : memref<17xi32, #tpu.memory_space<smem>>
    %get3A_88 = arith.constant 7 : index
    %get3A_89 = memref.load %arg0[%get3A_88] : memref<17xi32, #tpu.memory_space<smem>>
    %sub3A_90 = arith.subi %get3A_87, %get3A_89 : i32
    %convert_element_type3A_91 = arith.sitofp %sub3A_90 : i32 to f32
    %broadcast_in_dim3A_92 = arith.constant 1.000000e+00 : f32
    %broadcast_in_dim3A_93 = vector.broadcast %broadcast_in_dim3A_92 : f32 to vector<1x1xf32>
    %max3A_94 = arith.constant 1.000000e+00 : f32
    %max3A_95 = arith.maximumf %convert_element_type3A_91, %max3A_94 : f32
    %div3A_96 = vector.broadcast %max3A_95 : f32 to vector<1x1xf32>
    %div3A_97 = arith.divf %broadcast_in_dim3A_93, %div3A_96 : vector<1x1xf32>
    %get3A_98 = arith.constant 9 : index
    %get3A_99 = memref.load %arg0[%get3A_98] : memref<17xi32, #tpu.memory_space<smem>>
    %get3A_100 = arith.constant 8 : index
    %get3A_101 = memref.load %arg0[%get3A_100] : memref<17xi32, #tpu.memory_space<smem>>
    %sub3A_102 = arith.subi %get3A_99, %get3A_101 : i32
    %convert_element_type3A_103 = arith.sitofp %sub3A_102 : i32 to f32
    %broadcast_in_dim3A_104 = arith.constant 1.000000e+00 : f32
    %broadcast_in_dim3A_105 = vector.broadcast %broadcast_in_dim3A_104 : f32 to vector<1x1xf32>
    %max3A_106 = arith.constant 1.000000e+00 : f32
    %max3A_107 = arith.maximumf %convert_element_type3A_103, %max3A_106 : f32
    %div3A_108 = vector.broadcast %max3A_107 : f32 to vector<1x1xf32>
    %div3A_109 = arith.divf %broadcast_in_dim3A_105, %div3A_108 : vector<1x1xf32>
    %get3A_110 = arith.constant 10 : index
    %get3A_111 = memref.load %arg0[%get3A_110] : memref<17xi32, #tpu.memory_space<smem>>
    %get3A_112 = arith.constant 9 : index
    %get3A_113 = memref.load %arg0[%get3A_112] : memref<17xi32, #tpu.memory_space<smem>>
    %sub3A_114 = arith.subi %get3A_111, %get3A_113 : i32
    %convert_element_type3A_115 = arith.sitofp %sub3A_114 : i32 to f32
    %broadcast_in_dim3A_116 = arith.constant 1.000000e+00 : f32
    %broadcast_in_dim3A_117 = vector.broadcast %broadcast_in_dim3A_116 : f32 to vector<1x1xf32>
    %max3A_118 = arith.constant 1.000000e+00 : f32
    %max3A_119 = arith.maximumf %convert_element_type3A_115, %max3A_118 : f32
    %div3A_120 = vector.broadcast %max3A_119 : f32 to vector<1x1xf32>
    %div3A_121 = arith.divf %broadcast_in_dim3A_117, %div3A_120 : vector<1x1xf32>
    %get3A_122 = arith.constant 11 : index
    %get3A_123 = memref.load %arg0[%get3A_122] : memref<17xi32, #tpu.memory_space<smem>>
    %get3A_124 = arith.constant 10 : index
    %get3A_125 = memref.load %arg0[%get3A_124] : memref<17xi32, #tpu.memory_space<smem>>
    %sub3A_126 = arith.subi %get3A_123, %get3A_125 : i32
    %convert_element_type3A_127 = arith.sitofp %sub3A_126 : i32 to f32
    %broadcast_in_dim3A_128 = arith.constant 1.000000e+00 : f32
    %broadcast_in_dim3A_129 = vector.broadcast %broadcast_in_dim3A_128 : f32 to vector<1x1xf32>
    %max3A_130 = arith.constant 1.000000e+00 : f32
    %max3A_131 = arith.maximumf %convert_element_type3A_127, %max3A_130 : f32
    %div3A_132 = vector.broadcast %max3A_131 : f32 to vector<1x1xf32>
    %div3A_133 = arith.divf %broadcast_in_dim3A_129, %div3A_132 : vector<1x1xf32>
    %get3A_134 = arith.constant 12 : index
    %get3A_135 = memref.load %arg0[%get3A_134] : memref<17xi32, #tpu.memory_space<smem>>
    %get3A_136 = arith.constant 11 : index
    %get3A_137 = memref.load %arg0[%get3A_136] : memref<17xi32, #tpu.memory_space<smem>>
    %sub3A_138 = arith.subi %get3A_135, %get3A_137 : i32
    %convert_element_type3A_139 = arith.sitofp %sub3A_138 : i32 to f32
    %broadcast_in_dim3A_140 = arith.constant 1.000000e+00 : f32
    %broadcast_in_dim3A_141 = vector.broadcast %broadcast_in_dim3A_140 : f32 to vector<1x1xf32>
    %max3A_142 = arith.constant 1.000000e+00 : f32
    %max3A_143 = arith.maximumf %convert_element_type3A_139, %max3A_142 : f32
    %div3A_144 = vector.broadcast %max3A_143 : f32 to vector<1x1xf32>
    %div3A_145 = arith.divf %broadcast_in_dim3A_141, %div3A_144 : vector<1x1xf32>
    %get3A_146 = arith.constant 13 : index
    %get3A_147 = memref.load %arg0[%get3A_146] : memref<17xi32, #tpu.memory_space<smem>>
    %get3A_148 = arith.constant 12 : index
    %get3A_149 = memref.load %arg0[%get3A_148] : memref<17xi32, #tpu.memory_space<smem>>
    %sub3A_150 = arith.subi %get3A_147, %get3A_149 : i32
    %convert_element_type3A_151 = arith.sitofp %sub3A_150 : i32 to f32
    %broadcast_in_dim3A_152 = arith.constant 1.000000e+00 : f32
    %broadcast_in_dim3A_153 = vector.broadcast %broadcast_in_dim3A_152 : f32 to vector<1x1xf32>
    %max3A_154 = arith.constant 1.000000e+00 : f32
    %max3A_155 = arith.maximumf %convert_element_type3A_151, %max3A_154 : f32
    %div3A_156 = vector.broadcast %max3A_155 : f32 to vector<1x1xf32>
    %div3A_157 = arith.divf %broadcast_in_dim3A_153, %div3A_156 : vector<1x1xf32>
    %get3A_158 = arith.constant 14 : index
    %get3A_159 = memref.load %arg0[%get3A_158] : memref<17xi32, #tpu.memory_space<smem>>
    %get3A_160 = arith.constant 13 : index
    %get3A_161 = memref.load %arg0[%get3A_160] : memref<17xi32, #tpu.memory_space<smem>>
    %sub3A_162 = arith.subi %get3A_159, %get3A_161 : i32
    %convert_element_type3A_163 = arith.sitofp %sub3A_162 : i32 to f32
    %broadcast_in_dim3A_164 = arith.constant 1.000000e+00 : f32
    %broadcast_in_dim3A_165 = vector.broadcast %broadcast_in_dim3A_164 : f32 to vector<1x1xf32>
    %max3A_166 = arith.constant 1.000000e+00 : f32
    %max3A_167 = arith.maximumf %convert_element_type3A_163, %max3A_166 : f32
    %div3A_168 = vector.broadcast %max3A_167 : f32 to vector<1x1xf32>
    %div3A_169 = arith.divf %broadcast_in_dim3A_165, %div3A_168 : vector<1x1xf32>
    %get3A_170 = arith.constant 15 : index
    %get3A_171 = memref.load %arg0[%get3A_170] : memref<17xi32, #tpu.memory_space<smem>>
    %get3A_172 = arith.constant 14 : index
    %get3A_173 = memref.load %arg0[%get3A_172] : memref<17xi32, #tpu.memory_space<smem>>
    %sub3A_174 = arith.subi %get3A_171, %get3A_173 : i32
    %convert_element_type3A_175 = arith.sitofp %sub3A_174 : i32 to f32
    %broadcast_in_dim3A_176 = arith.constant 1.000000e+00 : f32
    %broadcast_in_dim3A_177 = vector.broadcast %broadcast_in_dim3A_176 : f32 to vector<1x1xf32>
    %max3A_178 = arith.constant 1.000000e+00 : f32
    %max3A_179 = arith.maximumf %convert_element_type3A_175, %max3A_178 : f32
    %div3A_180 = vector.broadcast %max3A_179 : f32 to vector<1x1xf32>
    %div3A_181 = arith.divf %broadcast_in_dim3A_177, %div3A_180 : vector<1x1xf32>
    %get3A_182 = arith.constant 16 : index
    %get3A_183 = memref.load %arg0[%get3A_182] : memref<17xi32, #tpu.memory_space<smem>>
    %get3A_184 = arith.constant 15 : index
    %get3A_185 = memref.load %arg0[%get3A_184] : memref<17xi32, #tpu.memory_space<smem>>
    %sub3A_186 = arith.subi %get3A_183, %get3A_185 : i32
    %convert_element_type3A_187 = arith.sitofp %sub3A_186 : i32 to f32
    %broadcast_in_dim3A_188 = arith.constant 1.000000e+00 : f32
    %broadcast_in_dim3A_189 = vector.broadcast %broadcast_in_dim3A_188 : f32 to vector<1x1xf32>
    %max3A_190 = arith.constant 1.000000e+00 : f32
    %max3A_191 = arith.maximumf %convert_element_type3A_187, %max3A_190 : f32
    %div3A_192 = vector.broadcast %max3A_191 : f32 to vector<1x1xf32>
    %div3A_193 = arith.divf %broadcast_in_dim3A_189, %div3A_192 : vector<1x1xf32>
    %concatenate3A = tpu.concatenate %div3A_13, %div3A_25, %div3A_37, %div3A_49, %div3A_61, %div3A_73, %div3A_85, %div3A_97, %div3A_109, %div3A_121, %div3A_133, %div3A_145, %div3A_157, %div3A_169, %div3A_181, %div3A_193 in 0 : vector<1x1xf32>, vector<1x1xf32>, vector<1x1xf32>, vector<1x1xf32>, vector<1x1xf32>, vector<1x1xf32>, vector<1x1xf32>, vector<1x1xf32>, vector<1x1xf32>, vector<1x1xf32>, vector<1x1xf32>, vector<1x1xf32>, vector<1x1xf32>, vector<1x1xf32>, vector<1x1xf32>, vector<1x1xf32> -> vector<16x1xf32>
    %mul3A = vector.broadcast %concatenate3A : vector<16x1xf32> to vector<16x2048xf32>
    %mul3A_194 = arith.mulf %add3A, %mul3A : vector<16x2048xf32>
    %swap3A = arith.constant 0 : index
    %swap3A_195 = arith.constant 0 : index
    %swap3A_196 = vector.load %arg3[%swap3A, %swap3A_195] : memref<16x2048xf32, #tpu.memory_space<vmem>>, vector<16x2048xf32>
    tpu.vector_store %arg3[%swap3A, %swap3A_195], %mul3A_194 {strides = array<i32>} : memref<16x2048xf32, #tpu.memory_space<vmem>>, vector<16x2048xf32>,
    return
  }
}

</mosaic_0001>

<sc_bundles>
// kernel: kernel.5.cloned.1.call-start
scs
__scs_entry_jumppad:
0x0: {  	(pc) =	sbr.rel $0x88, $3  }
0x1: {  	(tag) =	ssettag $0x0;
	lr =	simm.s32 $0x1  }
0x2: {  	[smem:$0x3F9F] =	sst lr;
	_ =	strace $0xD0000000  }
0x3: {  	_ = 	snop  }
0x4: {  	_ = 	snop  }
0x5: {  	_ = 	snop  }
0x6: {  	_ = 	snop  }
0x7: {  	_ = 	snop  }
__scs_overlays_trampoline_lowered:
0x8: {  	[smem:$0x3FAE] =	sst s0  }
0x9: {  	[smem:$0x3FAF] =	sst s1  }
0xa: {  	[smem:$0x3FB0] =	sst s2  }
0xb: {  	[smem:$0x3FB1] =	sst s3  }
0xc: {  	[smem:$0x3FB2] =	sst s4  }
0xd: {  	[smem:$0x3FB3] =	sst s5  }
0xe: {  	[smem:$0x3FB4] =	sst s6  }
0xf: {  	[smem:$0x3FB5] =	sst s7  }
0x10: {  	[smem:$0x3FB6] =	sst s8  }
0x11: {  	[smem:$0x3FB7] =	sst s9;
	s0 =	simm.s32 @!p0 $0x0  }
0x12: {  	s1 =	sld [smem:$0x3F9D];
	s0 =	simm.s32 @p0 $0x1  }
0x13: {  	[smem:$0x3FB8] =	sst s0;
	s0 =	simm.s32 @!p1 $0x0  }
0x14: {  	s2 =	sld [smem:$0x3F9C];
	s0 =	simm.s32 @p1 $0x1  }
0x15: {  	[smem:$0x3FB9] =	sst s0;
	s0 =	simm.s32 @!p2 $0x0  }
0x16: {  	s3 =	sld [smem:$0x3FDB];
	s0 =	simm.s32 @p2 $0x1  }
0x17: {  	s4 =	simm.s32 $0x1BF5;
	[smem:$0x3FBB] =	sst s0  }
0x18: {  	s0 =	sld [smem:$0x3F9E];
	_ =	swait.ge [sflag:s4], $0x0  }
0x19: {  	s7 =	sld [smem:$0x3F9F]  }
0x1a: {  	s8 =	sadd.s32 $0xFFFFE003, lr  }
0x1b: {  	s9 =	sadd.s32 $0xFFFFFEF7, lr;
	s5 =	simm.s32 $0xFFFFFFFF;
	p2 =	slt.u32 s8, $0xFFFFF086  }
0x1c: {  	p1 =	slt.u32 s9, $0xF7A;
	s5 =	simm.s32 @!p2 $0x0  }
0x1d: {  	s5 =	simm.s32 @p1 $0x1;
	p0 =	seq.s32 s7, s2  }
0x1e: {  	s7 =	smul.u32 @!p0 $0xF7A, s2;
	p2 =	seq.s32 @!p0 s5, $0x0  }
0x1f: {  	s9 =	smul.u32 $0xF7A, s1;
	s8 =	simm.s32 @!p0 $0x1BF5;
	p2 =	por !p2, p0  }
0x20: {  	[sflag:s8] =	ssyncset.s32 @!p0 $0xFFFFF086;
	s6 =	sadd.s32 @!p0 s3, s7;
	s7 =	simm.s32 @!p0 $0x108  }
0x21: {  	s3 =	sadd.s32 s3, s9;
	s6 =	sadd.s32 @!p0 $0x88, s6;
	s7 =	simm.s32 @p2 $0x1082  }
0x22: {  	[simem:s7], [sflag:s8] =	dma.local @!p0 [hbm:s6], $0xF7A  }
0x23: {  	s9 =	sor.u32 $0xD0000000, s2;
	s6 =	simm.s32 $0x108;
	_ =	swait.ge @!p0 [sflag:s8], $0x0  }
0x24: {  	s3 =	sadd.s32 $0x88, s3;
	s6 =	simm.s32 @!p1 $0x1082;
	[sflag:s4] =	ssyncset.s32 $0xFFFFF086  }
0x25: {  	[simem:s6], [sflag:s4] =	dma.local [hbm:s3], $0xF7A  }
0x26: {  	[smem:$0x3F9F] =	sst s1;
	(tag) =	ssettag s2;
	_ =	strace s9  }
0x27: {  	s1 =	sld [smem:$0x3FAF]  }
0x28: {  	s2 =	sld [smem:$0x3FB0]  }
0x29: {  	s4 =	sld [smem:$0x3FB2]  }
0x2a: {  	p0 =	seq.s32 s5, $0x0;
	s5 =	sld [smem:$0x3FB3]  }
0x2b: {  	s6 =	sld [smem:$0x3FB4]  }
0x2c: {  	s7 =	sld [smem:$0x3FB5]  }
0x2d: {  	s3 =	simm.s32 $0x108;
	s8 =	sld [smem:$0x3FB6]  }
0x2e: {  	s3 =	simm.s32 @!p0 $0x1082;
	s9 =	sld [smem:$0x3FB7]  }
0x2f: {  	lr =	sadd.s32 s0, s3;
	s0 =	sld [smem:$0x3FAE]  }
0x30: {  	s3 =	sld [smem:$0x3FB1]  }
0x31: {  	[smem:$0x3FBA] =	sst s10  }
0x32: {  	s10 =	sld [smem:$0x3FB8];
	_ =	sdelay $0x3  }
0x33: {  	p0 =	seq.s32 s10, $0x1;
	s10 =	sld [smem:$0x3FBA];
	_ =	sdelay $0x3  }
0x34: {  	[smem:$0x3FBA] =	sst s10  }
0x35: {  	s10 =	sld [smem:$0x3FB9];
	_ =	sdelay $0x3  }
0x36: {  	p1 =	seq.s32 s10, $0x1;
	s10 =	sld [smem:$0x3FBA];
	_ =	sdelay $0x3  }
0x37: {  	[smem:$0x3FBA] =	sst s10  }
0x38: {  	s10 =	sld [smem:$0x3FBB]  }
0x39: {  	_ = 	snop;
	(pc) =	sbr.ind lr, $3  }
0x3a: {  	_ = 	snop  }
0x3b: {  	_ = 	snop  }
0x3c: {  	p2 =	seq.s32 s10, $0x1;
	s10 =	sld [smem:$0x3FBA]  }
0x3d: {  	_ =	shalt  }
0x3e: {  	_ =	shalt  }
0x3f: {  	_ =	shalt  }
0x40: {  	_ =	shalt  }
0x41: {  	_ =	shalt  }
0x42: {  	_ =	shalt  }
0x43: {  	_ =	shalt  }
0x44: {  	_ =	shalt  }
0x45: {  	_ =	shalt  }
0x46: {  	_ =	shalt  }
0x47: {  	_ =	shalt  }
0x48: {  	_ =	shalt  }
0x49: {  	_ =	shalt  }
0x4a: {  	_ =	shalt  }
0x4b: {  	_ =	shalt  }
0x4c: {  	_ =	shalt  }
0x4d: {  	_ =	shalt  }
0x4e: {  	_ =	shalt  }
0x4f: {  	_ =	shalt  }
0x50: {  	_ =	shalt  }
0x51: {  	_ =	shalt  }
0x52: {  	_ =	shalt  }
0x53: {  	_ =	shalt  }
0x54: {  	_ =	shalt  }
0x55: {  	_ =	shalt  }
0x56: {  	_ =	shalt  }
0x57: {  	_ =	shalt  }
0x58: {  	_ =	shalt  }
0x59: {  	_ =	shalt  }
0x5a: {  	_ =	shalt  }
0x5b: {  	_ =	shalt  }
0x5c: {  	_ =	shalt  }
0x5d: {  	_ =	shalt  }
0x5e: {  	_ =	shalt  }
0x5f: {  	_ =	shalt  }
0x60: {  	_ =	shalt  }
0x61: {  	_ =	shalt  }
0x62: {  	_ =	shalt  }
0x63: {  	_ =	shalt  }
0x64: {  	_ =	shalt  }
0x65: {  	_ =	shalt  }
0x66: {  	_ =	shalt  }
0x67: {  	_ =	shalt  }
0x68: {  	_ =	shalt  }
0x69: {  	_ =	shalt  }
0x6a: {  	_ =	shalt  }
0x6b: {  	_ =	shalt  }
0x6c: {  	_ =	shalt  }
0x6d: {  	_ =	shalt  }
0x6e: {  	_ =	shalt  }
0x6f: {  	_ =	shalt  }
0x70: {  	_ =	shalt  }
0x71: {  	_ =	shalt  }
0x72: {  	_ =	shalt  }
0x73: {  	_ =	shalt  }
0x74: {  	_ =	shalt  }
0x75: {  	_ =	shalt  }
0x76: {  	_ =	shalt  }
0x77: {  	_ =	shalt  }
0x78: {  	_ =	shalt  }
0x79: {  	_ =	shalt  }
0x7a: {  	_ =	shalt  }
0x7b: {  	_ =	shalt  }
0x7c: {  	_ =	shalt  }
0x7d: {  	_ =	shalt  }
0x7e: {  	_ =	shalt  }
0x7f: {  	_ =	shalt  }
0x80: {  	_ =	shalt  }
0x81: {  	_ =	shalt  }
0x82: {  	_ =	shalt  }
0x83: {  	_ =	shalt  }
0x84: {  	_ =	shalt  }
0x85: {  	_ =	shalt  }
0x86: {  	_ =	shalt  }
0x87: {  	_ =	shalt  }
.Lfunc_end0:
.L_simem_size_0:
called_computation_lowered:
.L_overlay_start_0:
0x88: {  	s2 =	sld [smem:$0x3FD9]  }
0x89: {  	s3 =	sld [smem:$0x3FFE];
	_ =	sdelay $0x1  }
0x8a: {  	s1 =	srdreg.scid  }
0x8b: {  	s0 =	sand.u32 $0x1, s1  }
0x8c: {  	s17 =	sshll.u32 s0, $0xA;
	s2 =	sadd.s32 s3, s2  }
0x8d: {  	s2 =	sadd.s32 s2, s17  }
0x8e: {  	[smem:$0x3FC6] =	sst s2  }
0x8f: {  	_ = 	snop  }
0x90: {  	s2 =	sld [smem:$0x3FC9]  }
0x91: {  	s18 =	sld [smem:$0x3FD0];
	(tm) =	ssettm $0x1  }
0x92: {  	s4 =	sld [smem:$0x3FFB];
	_ =	sdelay $0x3  }
0x93: {  	_ =	strace s4  }
0x94: {  	s4 =	sld [smem:$0x3FFC];
	_ =	sdelay $0x3  }
0x95: {  	_ =	strace s4  }
0x96: {  	s4 =	sld [smem:$0x3FFD];
	_ =	sdelay $0x3  }
0x97: {  	_ =	strace s4  }
0x98: {  	_ =	strace $0x8FFFFFFF  }
0x99: {  	s19 =	sld [smem:$0x3FDB];
	_ =	sdelay $0x1  }
0x9a: {  	s5 =	simm.s32 $_scs_section_size  }
0x9b: {  	s6 =	simm.s32 $_size__tile_overlayer_lowered;
	s7 =	simm.s32 $_tile_overlayer_lowered  }
0x9c: {  	s22 =	simm.s32 $0x1BFF;
	s21 =	sshll.u32 s7, $0x1;
	s4 =	sadd.s32 s5, s19  }
0x9d: {  	s8 =	simm.s32 $0x0;
	s20 =	sshll.u32 s6, $0x1;
	s6 =	sadd.s32 s21, s4  }
0x9e: {  	[timem:s8], [sflag:s22] =	dma.local [hbm:s6], s20  }
0x9f: {  	_ =	swait.ge [sflag:s22], s20  }
0xa0: {  	s5 =	ssub.s32 $0x0, s20;
	[sflag:s22] =	ssyncset.done $0x0  }
0xa1: {  	[sflag:s22] =	ssyncadd.s32 s5;
	_ =	sdelay $0x1  }
0xa2: {  	s23 =	simm.s32 $0x1B8B  }
0xa3: {  	_ =	swait.ge [sflag:s23], $0x1  }
0xa4: {  	[sflag:s23] =	ssyncset.done $0x0  }
0xa5: {  	s25 =	simm.s32 $0x1B8E;
	s24 =	sld [smem:$0x3FFE];
	[sflag:s23] =	ssyncadd.s32 $0xFFFFFFFF  }
0xa6: {  	s26 =	simm.s32 $execute0_lowered;
	[smem:$0x3FD2] =	sst s25  }
0xa7: {  	s6 =	sshll.u32 s26, $0x1;
	_ =	strace $0x80000046;
	[dreg:$0x1] =	wrdreg $0xFFFFFFFF  }
0xa8: {  	s28 =	simm.s32 $_size_execute0_lowered;
	s4 =	sadd.s32 s4, s6;
	[dreg:$0x0] =	wrdreg $0x0  }
0xa9: {  	s6 =	sshll.u32 s28, $0x1;
	[dreg:$0x2] =	wrdreg s4  }
0xaa: {  	[dreg:$0x3] =	wrdreg s6  }
0xab: {  	[dreg:$0x4] =	wrdreg $0xC0  }
0xac: {  	_ =	task [dreg:s8], $0x5FFFF  }
0xad: {  	[dreg:$0x1] =	wrdreg $0xFFFFFFFF  }
0xae: {  	[dreg:$0x0] =	wrdreg $0x60  }
0xaf: {  	[dreg:$0x2] =	wrdreg s2  }
0xb0: {  	[dreg:$0x3] =	wrdreg s18  }
0xb1: {  	[dreg:$0x4] =	wrdreg s24  }
0xb2: {  	[dreg:$0x5] =	wrdreg $0x800  }
0xb3: {  	[dreg:$0x6] =	wrdreg $0x80800  }
0xb4: {  	[dreg:$0x7] =	wrdreg $0x9  }
0xb5: {  	_ =	task.clear_ibuf [dreg:s8], $0x8FFFF;
	_ =	strace $0x90000046  }
0xb6: {  	s29 =	simm.s32 $0x9;
	_ =	strace $0x80000048  }
0xb7: {  	_ =	swait.ge [sflag:s29], $0x1  }
0xb8: {  	[sflag:s29] =	ssyncadd.s32 $0xFFFFFFFF  }
0xb9: {  	_ =	strace $0x90000048  }
0xba: {  	_ =	sfence  }
0xbb: {  	s30 =	sld [smem:$0x0];
	_ =	sdelay $0x2  }
0xbc: {  	s31 =	sshll.u32 s1, $0xD;
	s1 =	sshrl.u32 s1, $0x2  }
0xbd: {  	s3 =	sand.u32 $0x4000, s31;
	s1 =	sadd.s32 s1, s30  }
0xbe: {  	s0 =	sor.u32 s3, s0;
	s1 =	sshll.u32 s1, $0x11  }
0xbf: {  	s0 =	sor.u32 s1, s0  }
0xc0: {  	s0 =	sadd.s32 $0x8F2B, s0  }
0xc1: {  	[sflag:s0] =	ssyncadd.remote.s32 $0x1  }
0xc2: {  	_ =	sfence.sel $0xFFFF  }
0xc3: {  	[dreg:$0x0] =	wrdreg $0xFFFFFFFF;
	(pc) =	sbr.abs _section_cstart, $3  }
0xc4: {  	[dreg:$0x1] =	wrdreg $0xFFFFFFFF  }
0xc5: {  	_ =	task.clear_ibuf [dreg:s8], $0x2FFFF;
	_ =	strace $0x9FFFFFFF  }
0xc6: {  	(tm) =	ssettm $0x7FFFFFFF  }
0xc7: {  	_ =	shalt  }
tec
execute0_lowered:
.L_overlay_start_1:
0x0: {  	(tag) =	ssettag $0x1  }
0x1: {  	s8 =	rddreg [dreg:$0x0]  }
0x2: {  	s1 =	rddreg [dreg:$0x1]  }
0x3: {  	s4 =	rddreg [dreg:$0x2]  }
0x4: {  	s5 =	rddreg [dreg:$0x3]  }
0x5: {  	s6 =	rddreg [dreg:$0x4]  }
0x6: {  	s0 =	rddreg [dreg:$0x5]  }
0x7: {  	s3 =	simm.s32 $0x0;
	s2 =	stileid.u32;
	s9 =	srdreg.scid  }
0x8: {  	s16 =	simm.s32 $0x80;
	s17 =	simm.s32 $0x400;
	s18 =	simm.s32 $0x10080  }
0x9: {  	s19 =	simm.s32 $0x0;
	[smem:$0x7FF] =	sst s3;
	s7 =	sshll.u32 s2, $0xD  }
0xa: {  	s9 =	sand.u32 $0x1, s9;
	s10 =	sshll.u32 s2, $0x1;
	s13 =	sshll.u32 s2, $0xF  }
0xb: {  	s15 =	sshll.u32 s2, $0x6;
	s31 =	sshll.u32 s2, $0x12;
	_ =	strace $0x80000047  }
0xc: {  	s7 =	sand.u32 $0x18000, s7;
	s30 =	ssub.s32 $0x2, s9;
	s10 =	sor.u32 s9, s10  }
0xd: {  	s14 =	sadd.s32 s13, s5;
	s5 =	sor.u32 $0x1C01, s15;
	s13 =	sadd.s32 s13, s6  }
0xe: {  	s9 =	sshll.u32 s9, $0x11;
	s7 =	sadd.s32 s7, s4;
	s12 =	sshll.u32 s10, $0x11  }
0xf: {  	s11 =	sshrl.u32 s30, $0x1;
	s10 =	sshll.u32 s10, $0x4;
	s12 =	sadd.s32 s12, s8  }
0x10: {  	s11 =	ssub.s32 s30, s11;
	s10 =	sand.u32 $0x70, s10;
	s4 =	sadd.s32 $0x400000, s12  }
0x11: {  	s6 =	sadd.s32 $0x401000, s12;
	s7 =	sadd.s32 s10, s7;
	s10 =	sadd.s32 s31, s8  }
0x12: {  	s8 =	smax.u32 s11, $0x1;
	s11 =	sor.u32 $0x1C02, s15;
	s12 =	sshrl.u32 s13, $0x3  }
0x13: {  	s13 =	simm.s32 $0x3;
	s15 =	simm.s32 $0x2;
	s7 =	sadd.s32 $0x600, s7  }
0x14: {  	v0 =	vimm.f32 $0.0e+00;
	s9 =	sadd.s32 s9, s10;
	s10 =	sshrl.u32 s14, $0x3;
	s14 =	simm.s32 $0x1  }
.LBB2_1:
0x15: {  	[spmem:s10], [sflag:s5] =	dma.local [hbm:s4], $0x1000  }
0x16: {  	[spmem:s12], [sflag:s11] =	dma.local [hbm:s6], $0x1000  }
0x17: {  	[tilespmem:s3], [sflag:$0x3] =	stream.linear.gather [hbm4b:s1+s3], $0x80, $0x38;
	[tilespmem:$0x18080] =	vst v63  }
0x18: {  	_ =	swait.ge [sflag:s13], $0x80  }
0x19: {  	[sflag:s13] =	ssyncset.done $0x0  }
0x1a: {  	s20 =	simm.s32 $0x0;
	[sflag:s13] =	ssyncadd.s32 $0xFFFFFF80  }
.LBB2_2:
0x1b: {  	p0 =	sne.s32 s20, $0x1FFC0  }
.Ltmp0:
0x1c: {  	_ = 	snop;
	(pc) =	sbr.rel @p0 .LBB2_2-.Ltmp0, $3  }
0x1d: {  	_ =	sdelay $0x1  }
0x1e: {  	s21 =	sshra.s32 s20, $0x2  }
0x1f: {  	s20 =	sadd.s32 $0x40, s20;
	[tilespmem:s21+$0x10080] =	vst v0  }
0x20: {  	_ =	swait.ge [sflag:s14], $0x1000  }
0x21: {  	s21 =	sadd.s32 $0xFFFE2000, s9;
	[sflag:s14] =	ssyncset.done $0x0  }
0x22: {  	s20 =	sadd.s32 $0x420000, s21;
	[sflag:s14] =	ssyncadd.s32 $0xFFFFF000  }
0x23: {  	[spmem:s10], [sflag:s5] =	dma.local [hbm:s20], $0x1000  }
0x24: {  	_ =	swait.ge [sflag:s15], $0x1000  }
0x25: {  	[sflag:s15] =	ssyncset.done $0x0  }
0x26: {  	s21 =	sadd.s32 $0x421000, s21;
	s20 =	simm.s32 $0xFFFE4000;
	[sflag:s15] =	ssyncadd.s32 $0xFFFFF000  }
.LBB2_4:
0x27: {  	[spmem:s12], [sflag:s11] =	dma.local [hbm:s21], $0x1000  }
0x28: {  	s21 =	smov.u32 s20  }
0x29: {  	p0 =	sne.s32 s20, $0xFFFFE000;
	s20 =	sadd.s32 $0x2000, s20;
	_ =	swait.ge [sflag:s14], $0x1000  }
0x2a: {  	s21 =	sadd.s32 s21, s9;
	[sflag:s14] =	ssyncset.done $0x0  }
.Ltmp1:
0x2b: {  	s22 =	sadd.s32 $0x420000, s21;
	[sflag:s14] =	ssyncadd.s32 $0xFFFFF000;
	(pc) =	sbr.rel @p0 .LBB2_4-.Ltmp1, $4  }
0x2c: {  	[spmem:s10], [sflag:s5] =	dma.local [hbm:s22], $0x1000  }
0x2d: {  	_ =	swait.ge [sflag:s15], $0x1000  }
0x2e: {  	[sflag:s15] =	ssyncset.done $0x0  }
0x2f: {  	s21 =	sadd.s32 $0x421000, s21;
	[sflag:s15] =	ssyncadd.s32 $0xFFFFF000  }
0x30: {  	[spmem:s12], [sflag:s11] =	dma.local [hbm:s21], $0x1000  }
0x31: {  	_ =	swait.ge [sflag:s14], $0x1000  }
0x32: {  	[sflag:s14] =	ssyncset.done $0x0  }
0x33: {  	[sflag:s14] =	ssyncadd.s32 $0xFFFFF000  }
0x34: {  	s19 =	sadd.s32 $0x1, s19;
	_ =	swait.ge [sflag:s15], $0x1000  }
0x35: {  	p0 =	sne.s32 s19, s8;
	[sflag:s15] =	ssyncset.done $0x0  }
.Ltmp2:
0x36: {  	[sflag:s15] =	ssyncadd.s32 $0xFFFFF000;
	(pc) =	sbr.rel @p0 .LBB2_1-.Ltmp2, $4  }
0x37: {  	[hbm4b:s7+s16] =	stream.strided.scatter [tilespmem:s18], [sflag:$0x3], $0x8000, s17, s16, $0x38;
	[tilespmem:$0x18080] =	vst v63  }
0x38: {  	_ =	swait.ge [sflag:s13], $0x8000  }
0x39: {  	[sflag:s13] =	ssyncset.done $0x0  }
0x3a: {  	[sflag:s13] =	ssyncadd.s32 $0xFFFF8000  }
0x3b: {  	_ =	sfence.sel $0x180000  }
0x3c: {  	[bflag:$0x0] =	sbarrier.arrive $0xFFFF  }
0x3d: {  	p0 =	sne.s32 s2, $0x0;
	_ =	strace $0x90000047  }
0x3e: {  	s0 =	sadd.s32 @!p0 $0x100000, s0;
	[bflag:$0x2] =	sbarrier.arrive $0xFFFF  }
0x3f: {  	[sflag:s0] =	ssyncadd.tile.s32 @!p0 $0x1;
	_ =	shalt  }
.Lfunc_end2:
_tile_overlayer_lowered:
.L_overlay_start_2:
0x40: {  	(tag) =	ssettag $0x2  }
0x41: {  	s0 =	rddreg [dreg:$0x0];
	s2 =	stileid.u32  }
0x42: {  	s1 =	rddreg [dreg:$0x1];
	p0 =	sne.s32 s2, $0x0  }
0x43: {  	s3 =	rddreg [dreg:$0x2];
	[bflag:$0x3] =	sbarrier.arrive $0xFFFF;
	s2 =	simm.s32 @!p0 $0x1C03  }
0x44: {  	[timem:s3], [sflag:s2] =	dma.local @!p0 [hbm:s0], s1  }
0x45: {  	s0 =	simm.s32 @!p0 $0x3  }
0x46: {  	_ =	swait.ge @!p0 [sflag:s0], s1  }
0x47: {  	s1 =	ssub.s32 @!p0 $0x0, s1;
	[sflag:s0] =	ssyncset.done @!p0 $0x0  }
0x48: {  	[sflag:s0] =	ssyncadd.s32 @!p0 s1  }
0x49: {  	[bflag:$0x3] =	sbarrier.arrive $0xFFFF  }
0x4a: {  	_ =	shalt  }

</sc_bundles>
